<compile_context>
chip_gen: v7x
topology: tpu7x:2x2x1
jax: 0.10.2.dev20260603
libtpu: 0.0.44.dev20260713+nightly
codegen_flags: <defaults>
</compile_context>

<pallas_src>
import functools

import jax
import jax.numpy as jnp
from jax import lax
from jax.experimental import pallas as pl
from jax.experimental.pallas import tpu as pltpu
from jax.experimental.pallas import tpu_sc as plsc

N_GRID = 50
N_CELLS = N_GRID - 1
TAB = 64
PAD = 80
L = 16

ROWS, COLS = 4096, 2048
N_TOTAL = ROWS * COLS
NW = 32
PER_W = N_TOTAL // NW
CHUNK = 32768
N_CHUNKS = PER_W // CHUNK


def _build_tables(xg_v, yg_v, a_tab, b_tab):
    for s in range(TAB // L):
        x0 = xg_v[pl.ds(s * L, L)]
        x1 = xg_v[pl.ds(s * L + 1, L)]
        y0 = yg_v[pl.ds(s * L, L)]
        y1 = yg_v[pl.ds(s * L + 1, L)]
        b = (y1 - y0) / (x1 - x0)
        a = y0 - b * x0
        a_tab[pl.ds(s * L, L)] = a
        b_tab[pl.ds(s * L, L)] = b


@functools.partial(
    pl.kernel,
    mesh=plsc.VectorSubcoreMesh(core_axis_name="c", subcore_axis_name="s"),
    out_type=jax.ShapeDtypeStruct((N_TOTAL,), jnp.float32),
    compiler_params=pltpu.CompilerParams(needs_layout_passes=False),
    scratch_types=[
        pltpu.VMEM((PAD,), jnp.float32),
        pltpu.VMEM((PAD,), jnp.float32),
        pltpu.VMEM((TAB,), jnp.float32),
        pltpu.VMEM((TAB,), jnp.float32),
        pltpu.VMEM((CHUNK,), jnp.float32),
        pltpu.VMEM((CHUNK,), jnp.float32),
    ],
)
def _interp_sc(x_hbm, xg_hbm, yg_hbm, out_hbm,
               xg_v, yg_v, a_tab, b_tab, in_v, out_v):
    wid = lax.axis_index("s") * 2 + lax.axis_index("c")
    base = wid * PER_W

    pltpu.sync_copy(xg_hbm, xg_v)
    pltpu.sync_copy(yg_hbm, yg_v)
    _build_tables(xg_v, yg_v, a_tab, b_tab)

    head = xg_v[pl.ds(0, L)]
    tail = xg_v[pl.ds(N_CELLS - L + 1, L)]
    x_lo = jnp.full((L,), head[0], dtype=jnp.float32)
    x_hi = jnp.full((L,), tail[L - 1], dtype=jnp.float32)
    inv_h = jnp.full((L,), N_CELLS, dtype=jnp.float32) / (x_hi - x_lo)

    def chunk_body(g, carry):
        off = base + g * CHUNK
        pltpu.sync_copy(x_hbm.at[pl.ds(off, CHUNK)], in_v)

        def vec_body(i, c):
            v = in_v[pl.ds(i * L, L)]
            u = (v - x_lo) * inv_h
            k = jnp.minimum(jnp.maximum(u.astype(jnp.int32), 0), N_CELLS - 1)
            a = plsc.load_gather(a_tab, [k])
            b = plsc.load_gather(b_tab, [k])
            out_v[pl.ds(i * L, L)] = a + b * v
            return c

        lax.fori_loop(0, CHUNK // L, vec_body, 0)
        pltpu.sync_copy(out_v, out_hbm.at[pl.ds(off, CHUNK)])
        return carry

    lax.fori_loop(0, N_CHUNKS, chunk_body, 0)


def kernel(x, act_array, xgrid):
    pad_x = xgrid[-1] + jnp.arange(1, PAD - N_GRID + 1, dtype=jnp.float32)
    xg = jnp.concatenate([xgrid.astype(jnp.float32), pad_x])
    yg = jnp.concatenate([
        act_array.astype(jnp.float32),
        jnp.zeros((PAD - N_GRID,), dtype=jnp.float32),
    ])
    out = _interp_sc(x.reshape(-1), xg, yg)
    return out.reshape(x.shape)

# --- scband reference (transcript-rebuilt; emitter-appended) ---
"""Pipeline reference for scband-interpolant-activation-25142738551273 (READ-ONLY COPY).

The authoritative reference and input builder live on the scoring server;
editing this copy changes nothing except your own understanding.
"""

import jax, jax.numpy as jnp
import numpy as np

N_GRID = 50

def interp1d(xgrid, ygrid, xnew):
    # piecewise-linear interpolation with linear extrapolation outside [-5, 5],
    # matching the searchsorted-based torch Interp1d implementation
    idx = jnp.clip(jnp.searchsorted(xgrid, xnew, side='right') - 1, 0, xgrid.shape[0] - 2)
    x0 = jnp.take(xgrid, idx)
    x1 = jnp.take(xgrid, idx + 1)
    y0 = jnp.take(ygrid, idx)
    y1 = jnp.take(ygrid, idx + 1)
    slope = (y1 - y0) / (x1 - x0)
    return y0 + slope * (xnew - x0)

def setup_inputs(seed: int = 0) -> dict:
    key = jax.random.key(seed)
    k1, k2 = jax.random.split(key)
    x = jax.random.normal(k1, (4096, 2048), dtype=jnp.float32)
    # act_array stands in for np.loadtxt(PATH): a single 50-point activation target
    act_array = jax.random.normal(k2, (N_GRID,), dtype=jnp.float32)
    xgrid = jnp.linspace(-5.0, 5.0, N_GRID, dtype=jnp.float32)
    return {"x": x, "act_array": act_array, "xgrid": xgrid}

def reference(x, act_array, xgrid):
    # n_activations == 1 branch of InterpolantActivation.forward
    return interp1d(xgrid, act_array, x)

if __name__ == "__main__":
    import jax
    _d = setup_inputs()
    print(jax.jit(kernel)(*tuple(_d.values())))

</pallas_src>

<mosaic_0001>
#map = affine_map<(d0, d1) -> (0)>
module attributes {stable_mosaic.version = 14 : i64} {
  func.func @_interp_sc(%arg0: i32, %arg1: i32, %arg2: memref<8388608xf32, #tpu.memory_space<hbm>>, %arg3: memref<80xf32, #tpu.memory_space<hbm>>, %arg4: memref<80xf32, #tpu.memory_space<hbm>>, %arg5: memref<8388608xf32, #tpu.memory_space<hbm>>, %arg6: memref<80xf32, #tpu.memory_space<vmem>>, %arg7: memref<80xf32, #tpu.memory_space<vmem>>, %arg8: memref<64xf32, #tpu.memory_space<vmem>>, %arg9: memref<64xf32, #tpu.memory_space<vmem>>, %arg10: memref<32768xf32, #tpu.memory_space<vmem>>, %arg11: memref<32768xf32, #tpu.memory_space<vmem>>) attributes {dimension_semantics = [#tpu.dimension_semantics<core_parallel>, #tpu.dimension_semantics<subcore_parallel>], iteration_bounds = array<i64: 2, 16>, scalar_prefetch = 0 : i64, scratch_operands = 6 : i64, tpu.core_type = #tpu.core_type<sc_vector_subcore>, window_params = [{transform_indices = #map}, {transform_indices = #map}, {transform_indices = #map}, {transform_indices = #map}]} {
    %mul3A = arith.constant 2 : i32
    %mul3A_0 = arith.muli %arg1, %mul3A : i32
    %add3A = arith.addi %mul3A_0, %arg0 : i32
    %mul3A_1 = arith.constant 262144 : i32
    %mul3A_2 = arith.muli %add3A, %mul3A_1 : i32
    "tpu.region"() ({
      %run_scoped3A = tpu.sem_alloc : memref<!tpu.dma_semaphore, #tpu.memory_space<semaphore_mem>>
      tpu.enqueue_dma source(%arg3 : memref<80xf32, #tpu.memory_space<hbm>>) target(%arg6 : memref<80xf32, #tpu.memory_space<vmem>>) target_semaphore(%run_scoped3A : memref<!tpu.dma_semaphore, #tpu.memory_space<semaphore_mem>>)
      tpu.wait_dma2 semaphore(%run_scoped3A : memref<!tpu.dma_semaphore, #tpu.memory_space<semaphore_mem>>) src(%arg3 : memref<80xf32, #tpu.memory_space<hbm>>) dst(%arg6 : memref<80xf32, #tpu.memory_space<vmem>>)
      tpu.yield
    }) : () -> ()
    "tpu.region"() ({
      %run_scoped3A = tpu.sem_alloc : memref<!tpu.dma_semaphore, #tpu.memory_space<semaphore_mem>>
      tpu.enqueue_dma source(%arg4 : memref<80xf32, #tpu.memory_space<hbm>>) target(%arg7 : memref<80xf32, #tpu.memory_space<vmem>>) target_semaphore(%run_scoped3A : memref<!tpu.dma_semaphore, #tpu.memory_space<semaphore_mem>>)
      tpu.wait_dma2 semaphore(%run_scoped3A : memref<!tpu.dma_semaphore, #tpu.memory_space<semaphore_mem>>) src(%arg4 : memref<80xf32, #tpu.memory_space<hbm>>) dst(%arg7 : memref<80xf32, #tpu.memory_space<vmem>>)
      tpu.yield
    }) : () -> ()
    %get3A = arith.constant 0 : index
    %get3A_3 = tpu.vector_load %arg6[%get3A] {strides = array<i32>} : memref<80xf32, #tpu.memory_space<vmem>>, vector<16xf32>,
    %get3A_4 = arith.constant 1 : index
    %get3A_5 = tpu.vector_load %arg6[%get3A_4] {strides = array<i32>} : memref<80xf32, #tpu.memory_space<vmem>>, vector<16xf32>,
    %get3A_6 = arith.constant 0 : index
    %get3A_7 = tpu.vector_load %arg7[%get3A_6] {strides = array<i32>} : memref<80xf32, #tpu.memory_space<vmem>>, vector<16xf32>,
    %get3A_8 = arith.constant 1 : index
    %get3A_9 = tpu.vector_load %arg7[%get3A_8] {strides = array<i32>} : memref<80xf32, #tpu.memory_space<vmem>>, vector<16xf32>,
    %sub3A = arith.subf %get3A_9, %get3A_7 : vector<16xf32>
    %sub3A_10 = arith.subf %get3A_5, %get3A_3 : vector<16xf32>
    %div3A = arith.divf %sub3A, %sub3A_10 : vector<16xf32>
    %mul3A_11 = arith.mulf %div3A, %get3A_3 : vector<16xf32>
    %sub3A_12 = arith.subf %get3A_7, %mul3A_11 : vector<16xf32>
    %swap3A = arith.constant 0 : index
    %swap3A_13 = tpu.vector_load %arg8[%swap3A] {strides = array<i32>} : memref<64xf32, #tpu.memory_space<vmem>>, vector<16xf32>,
    tpu.vector_store %arg8[%swap3A], %sub3A_12 {strides = array<i32>} : memref<64xf32, #tpu.memory_space<vmem>>, vector<16xf32>,
    %swap3A_14 = arith.constant 0 : index
    %swap3A_15 = tpu.vector_load %arg9[%swap3A_14] {strides = array<i32>} : memref<64xf32, #tpu.memory_space<vmem>>, vector<16xf32>,
    tpu.vector_store %arg9[%swap3A_14], %div3A {strides = array<i32>} : memref<64xf32, #tpu.memory_space<vmem>>, vector<16xf32>,
    %get3A_16 = arith.constant 16 : index
    %get3A_17 = tpu.vector_load %arg6[%get3A_16] {strides = array<i32>} : memref<80xf32, #tpu.memory_space<vmem>>, vector<16xf32>,
    %get3A_18 = arith.constant 17 : index
    %get3A_19 = tpu.vector_load %arg6[%get3A_18] {strides = array<i32>} : memref<80xf32, #tpu.memory_space<vmem>>, vector<16xf32>,
    %get3A_20 = arith.constant 16 : index
    %get3A_21 = tpu.vector_load %arg7[%get3A_20] {strides = array<i32>} : memref<80xf32, #tpu.memory_space<vmem>>, vector<16xf32>,
    %get3A_22 = arith.constant 17 : index
    %get3A_23 = tpu.vector_load %arg7[%get3A_22] {strides = array<i32>} : memref<80xf32, #tpu.memory_space<vmem>>, vector<16xf32>,
    %sub3A_24 = arith.subf %get3A_23, %get3A_21 : vector<16xf32>
    %sub3A_25 = arith.subf %get3A_19, %get3A_17 : vector<16xf32>
    %div3A_26 = arith.divf %sub3A_24, %sub3A_25 : vector<16xf32>
    %mul3A_27 = arith.mulf %div3A_26, %get3A_17 : vector<16xf32>
    %sub3A_28 = arith.subf %get3A_21, %mul3A_27 : vector<16xf32>
    %swap3A_29 = arith.constant 16 : index
    %swap3A_30 = tpu.vector_load %arg8[%swap3A_29] {strides = array<i32>} : memref<64xf32, #tpu.memory_space<vmem>>, vector<16xf32>,
    tpu.vector_store %arg8[%swap3A_29], %sub3A_28 {strides = array<i32>} : memref<64xf32, #tpu.memory_space<vmem>>, vector<16xf32>,
    %swap3A_31 = arith.constant 16 : index
    %swap3A_32 = tpu.vector_load %arg9[%swap3A_31] {strides = array<i32>} : memref<64xf32, #tpu.memory_space<vmem>>, vector<16xf32>,
    tpu.vector_store %arg9[%swap3A_31], %div3A_26 {strides = array<i32>} : memref<64xf32, #tpu.memory_space<vmem>>, vector<16xf32>,
    %get3A_33 = arith.constant 32 : index
    %get3A_34 = tpu.vector_load %arg6[%get3A_33] {strides = array<i32>} : memref<80xf32, #tpu.memory_space<vmem>>, vector<16xf32>,
    %get3A_35 = arith.constant 33 : index
    %get3A_36 = tpu.vector_load %arg6[%get3A_35] {strides = array<i32>} : memref<80xf32, #tpu.memory_space<vmem>>, vector<16xf32>,
    %get3A_37 = arith.constant 32 : index
    %get3A_38 = tpu.vector_load %arg7[%get3A_37] {strides = array<i32>} : memref<80xf32, #tpu.memory_space<vmem>>, vector<16xf32>,
    %get3A_39 = arith.constant 33 : index
    %get3A_40 = tpu.vector_load %arg7[%get3A_39] {strides = array<i32>} : memref<80xf32, #tpu.memory_space<vmem>>, vector<16xf32>,
    %sub3A_41 = arith.subf %get3A_40, %get3A_38 : vector<16xf32>
    %sub3A_42 = arith.subf %get3A_36, %get3A_34 : vector<16xf32>
    %div3A_43 = arith.divf %sub3A_41, %sub3A_42 : vector<16xf32>
    %mul3A_44 = arith.mulf %div3A_43, %get3A_34 : vector<16xf32>
    %sub3A_45 = arith.subf %get3A_38, %mul3A_44 : vector<16xf32>
    %swap3A_46 = arith.constant 32 : index
    %swap3A_47 = tpu.vector_load %arg8[%swap3A_46] {strides = array<i32>} : memref<64xf32, #tpu.memory_space<vmem>>, vector<16xf32>,
    tpu.vector_store %arg8[%swap3A_46], %sub3A_45 {strides = array<i32>} : memref<64xf32, #tpu.memory_space<vmem>>, vector<16xf32>,
    %swap3A_48 = arith.constant 32 : index
    %swap3A_49 = tpu.vector_load %arg9[%swap3A_48] {strides = array<i32>} : memref<64xf32, #tpu.memory_space<vmem>>, vector<16xf32>,
    tpu.vector_store %arg9[%swap3A_48], %div3A_43 {strides = array<i32>} : memref<64xf32, #tpu.memory_space<vmem>>, vector<16xf32>,
    %get3A_50 = arith.constant 48 : index
    %get3A_51 = tpu.vector_load %arg6[%get3A_50] {strides = array<i32>} : memref<80xf32, #tpu.memory_space<vmem>>, vector<16xf32>,
    %get3A_52 = arith.constant 49 : index
    %get3A_53 = tpu.vector_load %arg6[%get3A_52] {strides = array<i32>} : memref<80xf32, #tpu.memory_space<vmem>>, vector<16xf32>,
    %get3A_54 = arith.constant 48 : index
    %get3A_55 = tpu.vector_load %arg7[%get3A_54] {strides = array<i32>} : memref<80xf32, #tpu.memory_space<vmem>>, vector<16xf32>,
    %get3A_56 = arith.constant 49 : index
    %get3A_57 = tpu.vector_load %arg7[%get3A_56] {strides = array<i32>} : memref<80xf32, #tpu.memory_space<vmem>>, vector<16xf32>,
    %sub3A_58 = arith.subf %get3A_57, %get3A_55 : vector<16xf32>
    %sub3A_59 = arith.subf %get3A_53, %get3A_51 : vector<16xf32>
    %div3A_60 = arith.divf %sub3A_58, %sub3A_59 : vector<16xf32>
    %mul3A_61 = arith.mulf %div3A_60, %get3A_51 : vector<16xf32>
    %sub3A_62 = arith.subf %get3A_55, %mul3A_61 : vector<16xf32>
    %swap3A_63 = arith.constant 48 : index
    %swap3A_64 = tpu.vector_load %arg8[%swap3A_63] {strides = array<i32>} : memref<64xf32, #tpu.memory_space<vmem>>, vector<16xf32>,
    tpu.vector_store %arg8[%swap3A_63], %sub3A_62 {strides = array<i32>} : memref<64xf32, #tpu.memory_space<vmem>>, vector<16xf32>,
    %swap3A_65 = arith.constant 48 : index
    %swap3A_66 = tpu.vector_load %arg9[%swap3A_65] {strides = array<i32>} : memref<64xf32, #tpu.memory_space<vmem>>, vector<16xf32>,
    tpu.vector_store %arg9[%swap3A_65], %div3A_60 {strides = array<i32>} : memref<64xf32, #tpu.memory_space<vmem>>, vector<16xf32>,
    %get3A_67 = arith.constant 0 : index
    %get3A_68 = tpu.vector_load %arg6[%get3A_67] {strides = array<i32>} : memref<80xf32, #tpu.memory_space<vmem>>, vector<16xf32>,
    %get3A_69 = arith.constant 34 : index
    %get3A_70 = tpu.vector_load %arg6[%get3A_69] {strides = array<i32>} : memref<80xf32, #tpu.memory_space<vmem>>, vector<16xf32>,
    %slice3A = vector.extract_strided_slice %get3A_68 {offsets = [0], sizes = [1], strides = [1]} : vector<16xf32> to vector<1xf32>
    %squeeze3A = vector.extract %slice3A[0] : f32 from vector<1xf32>
    %broadcast_in_dim3A = vector.broadcast %squeeze3A : f32 to vector<16xf32>
    %slice3A_71 = vector.extract_strided_slice %get3A_70 {offsets = [15], sizes = [1], strides = [1]} : vector<16xf32> to vector<1xf32>
    %squeeze3A_72 = vector.extract %slice3A_71[0] : f32 from vector<1xf32>
    %broadcast_in_dim3A_73 = vector.broadcast %squeeze3A_72 : f32 to vector<16xf32>
    %broadcast_in_dim3A_74 = arith.constant 4.900000e+01 : f32
    %broadcast_in_dim3A_75 = vector.broadcast %broadcast_in_dim3A_74 : f32 to vector<16xf32>
    %sub3A_76 = arith.subf %broadcast_in_dim3A_73, %broadcast_in_dim3A : vector<16xf32>
    %div3A_77 = arith.divf %broadcast_in_dim3A_75, %sub3A_76 : vector<16xf32>
    %scan3A = arith.constant 0 : i32
    %scan3A_78 = arith.constant 0 : i32
    %scan3A_79 = arith.constant 8 : i32
    %scan3A_80 = arith.addi %scan3A_78, %scan3A_79 : i32
    %scan3A_81 = arith.constant 1 : i32
    scf.for %scan3A_83 = %scan3A_78 to %scan3A_80 step %scan3A_81  : i32 {
      %mul3A_84 = arith.constant 32768 : i32
      %mul3A_85 = arith.muli %scan3A_83, %mul3A_84 : i32
      %add3A_86 = arith.addi %mul3A_2, %mul3A_85 : i32
      "tpu.region"() ({
        %run_scoped3A = tpu.sem_alloc : memref<!tpu.dma_semaphore, #tpu.memory_space<semaphore_mem>>
        %dma_start3A = tpu.memref_slice %arg2[%add3A_86] : memref<8388608xf32, #tpu.memory_space<hbm>> -> memref<32768xf32, #tpu.memory_space<hbm>>
        %dma_start3A_93 = tpu.memref_slice %arg2[%add3A_86] : memref<8388608xf32, #tpu.memory_space<hbm>> -> memref<32768xf32, #tpu.memory_space<hbm>>
        tpu.enqueue_dma source(%dma_start3A_93 : memref<32768xf32, #tpu.memory_space<hbm>>) target(%arg10 : memref<32768xf32, #tpu.memory_space<vmem>>) target_semaphore(%run_scoped3A : memref<!tpu.dma_semaphore, #tpu.memory_space<semaphore_mem>>)
        %dma_wait3A = tpu.memref_slice %arg2[%add3A_86] : memref<8388608xf32, #tpu.memory_space<hbm>> -> memref<32768xf32, #tpu.memory_space<hbm>>
        %dma_wait3A_94 = tpu.memref_slice %arg2[%add3A_86] : memref<8388608xf32, #tpu.memory_space<hbm>> -> memref<32768xf32, #tpu.memory_space<hbm>>
        tpu.wait_dma2 semaphore(%run_scoped3A : memref<!tpu.dma_semaphore, #tpu.memory_space<semaphore_mem>>) src(%dma_wait3A_94 : memref<32768xf32, #tpu.memory_space<hbm>>) dst(%arg10 : memref<32768xf32, #tpu.memory_space<vmem>>)
        tpu.yield
      }) : () -> ()
      %scan3A_87 = arith.constant 0 : i32
      %scan3A_88 = arith.constant 0 : i32
      %scan3A_89 = arith.constant 2048 : i32
      %scan3A_90 = arith.addi %scan3A_88, %scan3A_89 : i32
      %scan3A_91 = arith.constant 1 : i32
      scf.for %scan3A_93 = %scan3A_88 to %scan3A_90 step %scan3A_91  : i32 {
        %mul3A_94 = arith.constant 16 : i32
        %mul3A_95 = arith.muli %scan3A_93, %mul3A_94 : i32
        %get3A_96 = arith.index_cast %mul3A_95 : i32 to index
        %get3A_97 = tpu.vector_load %arg10[%get3A_96] {strides = array<i32>} : memref<32768xf32, #tpu.memory_space<vmem>>, vector<16xf32>,
        %sub3A_98 = arith.subf %get3A_97, %broadcast_in_dim3A : vector<16xf32>
        %mul3A_99 = arith.mulf %sub3A_98, %div3A_77 : vector<16xf32>
        %convert_element_type3A = arith.fptosi %mul3A_99 : vector<16xf32> to vector<16xi32>
        %max3A = arith.constant 0 : i32
        %max3A_100 = vector.broadcast %max3A : i32 to vector<16xi32>
        %max3A_101 = arith.maxsi %convert_element_type3A, %max3A_100 : vector<16xi32>
        %min3A = arith.constant 48 : i32
        %min3A_102 = vector.broadcast %min3A : i32 to vector<16xi32>
        %min3A_103 = arith.minsi %max3A_101, %min3A_102 : vector<16xi32>
        %gather3A = tpu.vector_load_idx %arg8[%min3A_103] : memref<64xf32, #tpu.memory_space<vmem>>[vector<16xi32>], vector<16xf32>,
        %gather3A_104 = tpu.vector_load_idx %arg9[%min3A_103] : memref<64xf32, #tpu.memory_space<vmem>>[vector<16xi32>], vector<16xf32>,
        %mul3A_105 = arith.mulf %gather3A_104, %get3A_97 : vector<16xf32>
        %add3A_106 = arith.addf %gather3A, %mul3A_105 : vector<16xf32>
        %mul3A_107 = arith.constant 16 : i32
        %mul3A_108 = arith.muli %scan3A_93, %mul3A_107 : i32
        %swap3A_109 = arith.index_cast %mul3A_108 : i32 to index
        %swap3A_110 = tpu.vector_load %arg11[%swap3A_109] {strides = array<i32>} : memref<32768xf32, #tpu.memory_space<vmem>>, vector<16xf32>,
        tpu.vector_store %arg11[%swap3A_109], %add3A_106 {strides = array<i32>} : memref<32768xf32, #tpu.memory_space<vmem>>, vector<16xf32>,
      }
      %scan3A_92 = arith.constant 2048 : i32
      "tpu.region"() ({
        %run_scoped3A = tpu.sem_alloc : memref<!tpu.dma_semaphore, #tpu.memory_space<semaphore_mem>>
        %dma_start3A = tpu.memref_slice %arg5[%add3A_86] : memref<8388608xf32, #tpu.memory_space<hbm>> -> memref<32768xf32, #tpu.memory_space<hbm>>
        %dma_start3A_93 = tpu.memref_slice %arg5[%add3A_86] : memref<8388608xf32, #tpu.memory_space<hbm>> -> memref<32768xf32, #tpu.memory_space<hbm>>
        tpu.enqueue_dma source(%arg11 : memref<32768xf32, #tpu.memory_space<vmem>>) target(%dma_start3A_93 : memref<32768xf32, #tpu.memory_space<hbm>>) target_semaphore(%run_scoped3A : memref<!tpu.dma_semaphore, #tpu.memory_space<semaphore_mem>>)
        %dma_wait3A = tpu.memref_slice %arg5[%add3A_86] : memref<8388608xf32, #tpu.memory_space<hbm>> -> memref<32768xf32, #tpu.memory_space<hbm>>
        %dma_wait3A_94 = tpu.memref_slice %arg5[%add3A_86] : memref<8388608xf32, #tpu.memory_space<hbm>> -> memref<32768xf32, #tpu.memory_space<hbm>>
        tpu.wait_dma2 semaphore(%run_scoped3A : memref<!tpu.dma_semaphore, #tpu.memory_space<semaphore_mem>>) src(%arg11 : memref<32768xf32, #tpu.memory_space<vmem>>) dst(%dma_wait3A_94 : memref<32768xf32, #tpu.memory_space<hbm>>)
        tpu.yield
      }) : () -> ()
    }
    %scan3A_82 = arith.constant 8 : i32
    return
  }
}

</mosaic_0001>

<sc_bundles>
// kernel: kernel.3.cloned.1.call-start
scs
__scs_entry_jumppad:
0x0: {  	(pc) =	sbr.rel $0x88, $3  }
0x1: {  	(tag) =	ssettag $0x0;
	lr =	simm.s32 $0x1  }
0x2: {  	[smem:$0x3F9E] =	sst lr;
	_ =	strace $0xD0000000  }
0x3: {  	_ = 	snop  }
0x4: {  	_ = 	snop  }
0x5: {  	_ = 	snop  }
0x6: {  	_ = 	snop  }
0x7: {  	_ = 	snop  }
__scs_overlays_trampoline_lowered:
0x8: {  	[smem:$0x3FAD] =	sst s0  }
0x9: {  	[smem:$0x3FAE] =	sst s1  }
0xa: {  	[smem:$0x3FAF] =	sst s2  }
0xb: {  	[smem:$0x3FB0] =	sst s3  }
0xc: {  	[smem:$0x3FB1] =	sst s4  }
0xd: {  	[smem:$0x3FB2] =	sst s5  }
0xe: {  	[smem:$0x3FB3] =	sst s6  }
0xf: {  	[smem:$0x3FB4] =	sst s7  }
0x10: {  	[smem:$0x3FB5] =	sst s8  }
0x11: {  	[smem:$0x3FB6] =	sst s9;
	s0 =	simm.s32 @!p0 $0x0  }
0x12: {  	s1 =	sld [smem:$0x3F9C];
	s0 =	simm.s32 @p0 $0x1  }
0x13: {  	[smem:$0x3FB7] =	sst s0;
	s0 =	simm.s32 @!p1 $0x0  }
0x14: {  	s2 =	sld [smem:$0x3F9B];
	s0 =	simm.s32 @p1 $0x1  }
0x15: {  	[smem:$0x3FB8] =	sst s0;
	s0 =	simm.s32 @!p2 $0x0  }
0x16: {  	s3 =	sld [smem:$0x3FDB];
	s0 =	simm.s32 @p2 $0x1  }
0x17: {  	s4 =	simm.s32 $0x1BF5;
	[smem:$0x3FBA] =	sst s0  }
0x18: {  	s0 =	sld [smem:$0x3F9D];
	_ =	swait.ge [sflag:s4], $0x0  }
0x19: {  	s7 =	sld [smem:$0x3F9E]  }
0x1a: {  	s8 =	sadd.s32 $0xFFFFE003, lr  }
0x1b: {  	s9 =	sadd.s32 $0xFFFFFEF7, lr;
	s5 =	simm.s32 $0xFFFFFFFF;
	p2 =	slt.u32 s8, $0xFFFFF086  }
0x1c: {  	p1 =	slt.u32 s9, $0xF7A;
	s5 =	simm.s32 @!p2 $0x0  }
0x1d: {  	s5 =	simm.s32 @p1 $0x1;
	p0 =	seq.s32 s7, s2  }
0x1e: {  	s7 =	smul.u32 @!p0 $0xF7A, s2;
	p2 =	seq.s32 @!p0 s5, $0x0  }
0x1f: {  	s9 =	smul.u32 $0xF7A, s1;
	s8 =	simm.s32 @!p0 $0x1BF5;
	p2 =	por !p2, p0  }
0x20: {  	[sflag:s8] =	ssyncset.s32 @!p0 $0xFFFFF086;
	s6 =	sadd.s32 @!p0 s3, s7;
	s7 =	simm.s32 @!p0 $0x108  }
0x21: {  	s3 =	sadd.s32 s3, s9;
	s6 =	sadd.s32 @!p0 $0x88, s6;
	s7 =	simm.s32 @p2 $0x1082  }
0x22: {  	[simem:s7], [sflag:s8] =	dma.local @!p0 [hbm:s6], $0xF7A  }
0x23: {  	s9 =	sor.u32 $0xD0000000, s2;
	s6 =	simm.s32 $0x108;
	_ =	swait.ge @!p0 [sflag:s8], $0x0  }
0x24: {  	s3 =	sadd.s32 $0x88, s3;
	s6 =	simm.s32 @!p1 $0x1082;
	[sflag:s4] =	ssyncset.s32 $0xFFFFF086  }
0x25: {  	[simem:s6], [sflag:s4] =	dma.local [hbm:s3], $0xF7A  }
0x26: {  	[smem:$0x3F9E] =	sst s1;
	(tag) =	ssettag s2;
	_ =	strace s9  }
0x27: {  	s1 =	sld [smem:$0x3FAE]  }
0x28: {  	s2 =	sld [smem:$0x3FAF]  }
0x29: {  	s4 =	sld [smem:$0x3FB1]  }
0x2a: {  	p0 =	seq.s32 s5, $0x0;
	s5 =	sld [smem:$0x3FB2]  }
0x2b: {  	s6 =	sld [smem:$0x3FB3]  }
0x2c: {  	s7 =	sld [smem:$0x3FB4]  }
0x2d: {  	s3 =	simm.s32 $0x108;
	s8 =	sld [smem:$0x3FB5]  }
0x2e: {  	s3 =	simm.s32 @!p0 $0x1082;
	s9 =	sld [smem:$0x3FB6]  }
0x2f: {  	lr =	sadd.s32 s0, s3;
	s0 =	sld [smem:$0x3FAD]  }
0x30: {  	s3 =	sld [smem:$0x3FB0]  }
0x31: {  	[smem:$0x3FB9] =	sst s10  }
0x32: {  	s10 =	sld [smem:$0x3FB7];
	_ =	sdelay $0x3  }
0x33: {  	p0 =	seq.s32 s10, $0x1;
	s10 =	sld [smem:$0x3FB9];
	_ =	sdelay $0x3  }
0x34: {  	[smem:$0x3FB9] =	sst s10  }
0x35: {  	s10 =	sld [smem:$0x3FB8];
	_ =	sdelay $0x3  }
0x36: {  	p1 =	seq.s32 s10, $0x1;
	s10 =	sld [smem:$0x3FB9];
	_ =	sdelay $0x3  }
0x37: {  	[smem:$0x3FB9] =	sst s10  }
0x38: {  	s10 =	sld [smem:$0x3FBA]  }
0x39: {  	_ = 	snop;
	(pc) =	sbr.ind lr, $3  }
0x3a: {  	_ = 	snop  }
0x3b: {  	_ = 	snop  }
0x3c: {  	p2 =	seq.s32 s10, $0x1;
	s10 =	sld [smem:$0x3FB9]  }
0x3d: {  	_ =	shalt  }
0x3e: {  	_ =	shalt  }
0x3f: {  	_ =	shalt  }
0x40: {  	_ =	shalt  }
0x41: {  	_ =	shalt  }
0x42: {  	_ =	shalt  }
0x43: {  	_ =	shalt  }
0x44: {  	_ =	shalt  }
0x45: {  	_ =	shalt  }
0x46: {  	_ =	shalt  }
0x47: {  	_ =	shalt  }
0x48: {  	_ =	shalt  }
0x49: {  	_ =	shalt  }
0x4a: {  	_ =	shalt  }
0x4b: {  	_ =	shalt  }
0x4c: {  	_ =	shalt  }
0x4d: {  	_ =	shalt  }
0x4e: {  	_ =	shalt  }
0x4f: {  	_ =	shalt  }
0x50: {  	_ =	shalt  }
0x51: {  	_ =	shalt  }
0x52: {  	_ =	shalt  }
0x53: {  	_ =	shalt  }
0x54: {  	_ =	shalt  }
0x55: {  	_ =	shalt  }
0x56: {  	_ =	shalt  }
0x57: {  	_ =	shalt  }
0x58: {  	_ =	shalt  }
0x59: {  	_ =	shalt  }
0x5a: {  	_ =	shalt  }
0x5b: {  	_ =	shalt  }
0x5c: {  	_ =	shalt  }
0x5d: {  	_ =	shalt  }
0x5e: {  	_ =	shalt  }
0x5f: {  	_ =	shalt  }
0x60: {  	_ =	shalt  }
0x61: {  	_ =	shalt  }
0x62: {  	_ =	shalt  }
0x63: {  	_ =	shalt  }
0x64: {  	_ =	shalt  }
0x65: {  	_ =	shalt  }
0x66: {  	_ =	shalt  }
0x67: {  	_ =	shalt  }
0x68: {  	_ =	shalt  }
0x69: {  	_ =	shalt  }
0x6a: {  	_ =	shalt  }
0x6b: {  	_ =	shalt  }
0x6c: {  	_ =	shalt  }
0x6d: {  	_ =	shalt  }
0x6e: {  	_ =	shalt  }
0x6f: {  	_ =	shalt  }
0x70: {  	_ =	shalt  }
0x71: {  	_ =	shalt  }
0x72: {  	_ =	shalt  }
0x73: {  	_ =	shalt  }
0x74: {  	_ =	shalt  }
0x75: {  	_ =	shalt  }
0x76: {  	_ =	shalt  }
0x77: {  	_ =	shalt  }
0x78: {  	_ =	shalt  }
0x79: {  	_ =	shalt  }
0x7a: {  	_ =	shalt  }
0x7b: {  	_ =	shalt  }
0x7c: {  	_ =	shalt  }
0x7d: {  	_ =	shalt  }
0x7e: {  	_ =	shalt  }
0x7f: {  	_ =	shalt  }
0x80: {  	_ =	shalt  }
0x81: {  	_ =	shalt  }
0x82: {  	_ =	shalt  }
0x83: {  	_ =	shalt  }
0x84: {  	_ =	shalt  }
0x85: {  	_ =	shalt  }
0x86: {  	_ =	shalt  }
0x87: {  	_ =	shalt  }
.Lfunc_end0:
.L_simem_size_0:
called_computation.1_lowered:
.L_overlay_start_0:
0x88: {  	s2 =	sld [smem:$0x3FD9]  }
0x89: {  	s3 =	sld [smem:$0x3FFE];
	_ =	sdelay $0x1  }
0x8a: {  	s1 =	srdreg.scid  }
0x8b: {  	s0 =	sand.u32 $0x1, s1  }
0x8c: {  	s17 =	sshll.u32 s0, $0xA;
	s2 =	sadd.s32 s3, s2  }
0x8d: {  	s2 =	sadd.s32 s2, s17  }
0x8e: {  	[smem:$0x3FC5] =	sst s2  }
0x8f: {  	_ = 	snop  }
0x90: {  	s2 =	sld [smem:$0x3FD0];
	(tm) =	ssettm $0x1  }
0x91: {  	s18 =	sld [smem:$0x3FFB];
	_ =	sdelay $0x3  }
0x92: {  	_ =	strace s18  }
0x93: {  	s3 =	sld [smem:$0x3FFC];
	_ =	sdelay $0x3  }
0x94: {  	_ =	strace s3  }
0x95: {  	s3 =	sld [smem:$0x3FFD];
	_ =	sdelay $0x3  }
0x96: {  	_ =	strace s3  }
0x97: {  	_ =	strace $0x8FFFFFFF  }
0x98: {  	s19 =	sld [smem:$0x3FDB];
	_ =	sdelay $0x1  }
0x99: {  	s4 =	simm.s32 $_scs_section_size  }
0x9a: {  	s5 =	simm.s32 $_size__tile_overlayer_lowered;
	s6 =	simm.s32 $_tile_overlayer_lowered  }
0x9b: {  	s22 =	simm.s32 $0x1BFF;
	s21 =	sshll.u32 s6, $0x1;
	s3 =	sadd.s32 s4, s19  }
0x9c: {  	s7 =	simm.s32 $0x0;
	s20 =	sshll.u32 s5, $0x1;
	s5 =	sadd.s32 s21, s3  }
0x9d: {  	[timem:s7], [sflag:s22] =	dma.local [hbm:s5], s20  }
0x9e: {  	_ =	swait.ge [sflag:s22], s20  }
0x9f: {  	s4 =	ssub.s32 $0x0, s20;
	[sflag:s22] =	ssyncset.done $0x0  }
0xa0: {  	[sflag:s22] =	ssyncadd.s32 s4;
	_ =	sdelay $0x1  }
0xa1: {  	s23 =	simm.s32 $0x1B8B  }
0xa2: {  	_ =	swait.ge [sflag:s23], $0x1  }
0xa3: {  	[sflag:s23] =	ssyncset.done $0x0  }
0xa4: {  	s25 =	simm.s32 $0x1B8E;
	s24 =	sld [smem:$0x3FFE];
	[sflag:s23] =	ssyncadd.s32 $0xFFFFFFFF  }
0xa5: {  	s26 =	simm.s32 $execute0_lowered;
	[smem:$0x3FD2] =	sst s25  }
0xa6: {  	s5 =	sshll.u32 s26, $0x1;
	_ =	strace $0x80000049;
	[dreg:$0x1] =	wrdreg $0xFFFFFFFF  }
0xa7: {  	s28 =	simm.s32 $_size_execute0_lowered;
	s3 =	sadd.s32 s3, s5;
	[dreg:$0x0] =	wrdreg $0x0  }
0xa8: {  	s5 =	sshll.u32 s28, $0x1;
	[dreg:$0x2] =	wrdreg s3  }
0xa9: {  	[dreg:$0x3] =	wrdreg s5  }
0xaa: {  	[dreg:$0x4] =	wrdreg $0xC0  }
0xab: {  	_ =	task [dreg:s7], $0x5FFFF  }
0xac: {  	[dreg:$0x1] =	wrdreg $0xFFFFFFFF  }
0xad: {  	[dreg:$0x0] =	wrdreg $0x60  }
0xae: {  	[dreg:$0x2] =	wrdreg s2  }
0xaf: {  	[dreg:$0x3] =	wrdreg s24  }
0xb0: {  	[dreg:$0x4] =	wrdreg $0x9  }
0xb1: {  	_ =	task.clear_ibuf [dreg:s7], $0x5FFFF;
	_ =	strace $0x90000049  }
0xb2: {  	s29 =	simm.s32 $0x9;
	_ =	strace $0x8000004B  }
0xb3: {  	_ =	swait.ge [sflag:s29], $0x1  }
0xb4: {  	[sflag:s29] =	ssyncadd.s32 $0xFFFFFFFF  }
0xb5: {  	_ =	strace $0x9000004B  }
0xb6: {  	_ =	sfence  }
0xb7: {  	s30 =	sld [smem:$0x0];
	_ =	sdelay $0x2  }
0xb8: {  	s31 =	sshll.u32 s1, $0xD;
	s1 =	sshrl.u32 s1, $0x2  }
0xb9: {  	s3 =	sand.u32 $0x4000, s31;
	s1 =	sadd.s32 s1, s30  }
0xba: {  	s0 =	sor.u32 s3, s0;
	s1 =	sshll.u32 s1, $0x11  }
0xbb: {  	s0 =	sor.u32 s1, s0  }
0xbc: {  	s0 =	sadd.s32 $0x8F2B, s0  }
0xbd: {  	[sflag:s0] =	ssyncadd.remote.s32 $0x1  }
0xbe: {  	_ =	sfence.sel $0xFFFF  }
0xbf: {  	[dreg:$0x0] =	wrdreg $0xFFFFFFFF;
	(pc) =	sbr.abs _section_cstart, $3  }
0xc0: {  	[dreg:$0x1] =	wrdreg $0xFFFFFFFF  }
0xc1: {  	_ =	task.clear_ibuf [dreg:s7], $0x2FFFF;
	_ =	strace $0x9FFFFFFF  }
0xc2: {  	(tm) =	ssettm $0x7FFFFFFF  }
0xc3: {  	_ =	shalt  }
tec
execute0_lowered:
.L_overlay_start_1:
0x0: {  	(tag) =	ssettag $0x1  }
0x1: {  	s1 =	rddreg [dreg:$0x0]  }
0x2: {  	s3 =	rddreg [dreg:$0x1]  }
0x3: {  	s0 =	rddreg [dreg:$0x2];
	s2 =	simm.s32 $0x0;
	s4 =	srdreg.scid  }
0x4: {  	s10 =	simm.s32 $0x80;
	s11 =	simm.s32 $0x200;
	s12 =	simm.s32 $0x100  }
0x5: {  	s13 =	simm.s32 $0x180;
	s14 =	simm.s32 $0x8200;
	s15 =	simm.s32 $0x0  }
0x6: {  	[smem:$0x7FF] =	sst s2;
	s7 =	sand.u32 $0x1, s4;
	s4 =	sadd.s32 $0xC00, s3  }
0x7: {  	s5 =	sadd.s32 $0xE00, s3;
	s6 =	sadd.s32 $0x1000, s3;
	s8 =	ssub.s32 $0x2, s7  }
0x8: {  	s3 =	stileid.u32;
	_ =	strace $0x8000004A;
	s9 =	sshrl.u32 s8, $0x1  }
0x9: {  	s31 =	sshll.u32 s3, $0x10;
	s7 =	sshll.u32 s7, $0xF;
	s8 =	ssub.s32 s8, s9  }
0xa: {  	s7 =	sor.u32 s7, s31;
	s9 =	simm.s32 $0x1;
	s8 =	smax.u32 s8, $0x1  }
.LBB2_1:
0xb: {  	[tilespmem:s2], [sflag:$0x1] =	stream.linear.gather [hbm4b:s4+s2], $0x80, $0x38;
	[tilespmem:$0x10200] =	vst v63  }
0xc: {  	_ =	swait.ge [sflag:s9], $0x80  }
0xd: {  	[sflag:s9] =	ssyncset.done $0x0  }
0xe: {  	[sflag:s9] =	ssyncadd.s32 $0xFFFFFF80  }
0xf: {  	[tilespmem:s10], [sflag:$0x1] =	stream.linear.gather [hbm4b:s5+s2], $0x80, $0x38;
	[tilespmem:$0x10200] =	vst v63  }
0x10: {  	_ =	swait.ge [sflag:s9], $0x80  }
0x11: {  	[sflag:s9] =	ssyncset.done $0x0  }
0x12: {  	[sflag:s9] =	ssyncadd.s32 $0xFFFFFF80  }
0x13: {  	v0 =	vld [tilespmem:$0x0]  }
0x14: {  	v1 =	vld [tilespmem:$0x1];
	_ =	sdelay $0x1  }
0x15: {  	v2 =	vld [tilespmem:$0x10]  }
0x16: {  	v3 =	vld [tilespmem:$0x11]  }
0x17: {  	v4 =	vld [tilespmem:$0x20]  }
0x18: {  	v5 =	vld [tilespmem:$0x21];
	v1 =	vsub.f32 v1, v0  }
0x19: {  	v6 =	vld [tilespmem:$0x30]  }
0x1a: {  	(erf) = vrcp.f32 v1;
	v1 =	vld [tilespmem:$0x31]  }
0x1b: {  	v3 =	vsub.f32 v3, v2  }
0x1c: {  	v7 =	vld [tilespmem:$0x80]  }
0x1d: {  	v8 =	vld [tilespmem:$0x81];
	(erf) = vrcp.f32 v3;
	v3 =	vsub.f32 v5, v4  }
0x1e: {  	v57 =	vld [tilespmem:$0x90]  }
0x1f: {  	v9 =	vld [tilespmem:$0xA0];
	(erf) = vrcp.f32 v3;
	v1 =	vsub.f32 v1, v6  }
0x20: {  	v3 =	vld [tilespmem:$0x91]  }
0x21: {  	v58 =	vld [tilespmem:$0xA1];
	(erf) = vrcp.f32 v1  }
0x22: {  	v11 =	vld [tilespmem:$0xB0]  }
0x23: {  	v59 =	vld [tilespmem:$0xB1];
	v1 =	vsub.f32 v8, v7  }
0x24: {  	v10 =	vpop (erf)  }
0x25: {  	v3 =	vsub.f32 v3, v57;
	v1 =	vmul.f32 v1, v10  }
0x26: {  	v12 =	vpop (erf)  }
0x27: {  	v8 =	vsub.f32 v58, v9;
	v3 =	vmul.f32 v3, v12;
	v0 =	vmul.f32 v1, v0  }
0x28: {  	v62 =	vsub.f32 v59, v11;
	v60 =	vpop (erf)  }
0x29: {  	v2 =	vmul.f32 v3, v2;
	v61 =	vmul.f32 v8, v60;
	v0 =	vsub.f32 v7, v0  }
0x2a: {  	[tilespmem:$0x180] =	vst v1;
	v63 =	vpop (erf)  }
0x2b: {  	v4 =	vmul.f32 v61, v4;
	[tilespmem:$0x100] =	vst v0;
	v0 =	vsub.f32 v57, v2;
	v2 =	vmul.f32 v62, v63  }
0x2c: {  	[tilespmem:$0x190] =	vst v3  }
0x2d: {  	[tilespmem:$0x110] =	vst v0;
	v0 =	vsub.f32 v9, v4;
	v1 =	vmul.f32 v2, v6  }
0x2e: {  	[tilespmem:$0x1A0] =	vst v61  }
0x2f: {  	[tilespmem:$0x120] =	vst v0;
	v0 =	vsub.f32 v11, v1  }
0x30: {  	[tilespmem:$0x1B0] =	vst v2;
	v1 =	vld [tilespmem:$0x22]  }
0x31: {  	[tilespmem:$0x130] =	vst v0  }
0x32: {  	v0 =	vld.msk [tilespmem:$0x0 ss:$0x0], $0xffff;
	_ =	sdelay $0x2  }
0x33: {  	v1 =	vbroadcast v1, $0xF;
	_ =	sdelay $0x1  }
0x34: {  	v1 =	vsub.f32 v1, v0;
	_ =	sdelay $0x1  }
0x35: {  	(erf) = vrcp.f32 v1;
	_ =	sdelay $0x8  }
0x36: {  	v1 =	vpop (erf)  }
0x37: {  	s16 =	simm.s32 $0x0;
	v1 =	vmul.f32 $4.900000000e+01, v1  }
.LBB2_2:
0x38: {  	s17 =	sshll.u32 s16, $0xC  }
0x39: {  	s17 =	sadd.s32 s7, s17  }
0x3a: {  	s19 =	simm.s32 $0x0;
	s18 =	sadd.s32 s1, s17  }
0x3b: {  	[tilespmem:s11], [sflag:$0x1] =	stream.linear.gather [hbm4b:s18+s19], $0x8000, $0x38;
	[tilespmem:$0x10200] =	vst v63  }
0x3c: {  	_ =	swait.ge [sflag:s9], $0x8000  }
0x3d: {  	[sflag:s9] =	ssyncset.done $0x0  }
0x3e: {  	s19 =	simm.s32 $0x0;
	[sflag:s9] =	ssyncadd.s32 $0xFFFF8000  }
0x3f: {  	v3 =	vld [tilespmem:s19+$0x200];
	_ =	sdelay $0x4  }
0x40: {  	v2 =	vsub.f32 v3, v0;
	_ =	sdelay $0x1  }
0x41: {  	v2 =	vmul.f32 v2, v1;
	_ =	sdelay $0x1  }
0x42: {  	s18 =	simm.s32 $0x10;
	v2 =	vtrunc.f32 v2  }
0x43: {  	v4 =	vcvt.f32.s32 v2;
	v2 =	vld [tilespmem:s18+$0x200];
	_ =	sdelay $0x1  }
0x44: {  	vm0 =	vgt.s32 v4, $0x0  }
0x45: {  	v4 =	vnsel vm0, $0x0, v4  }
0x46: {  	v5 =	vmin.u32 v4, $0x30  }
0x47: {  	v4 =	vsub.f32 v2, v0;
	_ =	sdelay $0x1  }
0x48: {  	v6 =	vmul.f32 v4, v1;
	_ =	sdelay $0x1  }
0x49: {  	v4 =	vld.idx.msk [tilespmem:v5+s13+$0x0], $0xffff;
	v6 =	vtrunc.f32 v6  }
0x4a: {  	s20 =	simm.s32 $0x20;
	s21 =	simm.s32 $0xC0;
	v5 =	vld.idx.msk [tilespmem:v5+s12+$0x0], $0xffff;
	v6 =	vcvt.f32.s32 v6  }
.LBB2_3:
0x4b: {  	p0 =	sne.s32 s21, $0x1FFC0;
	v7 =	vld [tilespmem:s20+$0x200]  }
0x4c: {  	vm0 =	vgt.s32 v6, $0x0  }
0x4d: {  	v6 =	vnsel vm0, $0x0, v6  }
0x4e: {  	v4 =	vmul.f32 v4, v3;
	v3 =	vmov v2;
	v8 =	vmin.u32 v6, $0x30;
	_ =	sdelay $0x1  }
0x4f: {  	v4 =	vadd.f32 v4, v5;
	v6 =	vsub.f32 v7, v0;
	v2 =	vmov v7  }
.Ltmp0:
0x50: {  	(pc) =	sbr.rel @p0 .LBB2_3-.Ltmp0, $4  }
0x51: {  	v5 =	vmul.f32 v6, v1;
	[tilespmem:s19+$0x8200] =	vst v4;
	s19 =	smov.u32 s18;
	s18 =	smov.u32 s20  }
0x52: {  	v4 =	vld.idx.msk [tilespmem:v8+s13+$0x0], $0xffff  }
0x53: {  	v5 =	vtrunc.f32 v5  }
0x54: {  	s20 =	sshra.s32 s21, $0x2;
	s21 =	sadd.s32 $0x40, s21;
	v6 =	vcvt.f32.s32 v5;
	v5 =	vld.idx.msk [tilespmem:v8+s12+$0x0], $0xffff  }
0x55: {  	v7 =	vld [tilespmem:s20+$0x200];
	_ =	sdelay $0x1  }
0x56: {  	vm0 =	vgt.s32 v6, $0x0  }
0x57: {  	v6 =	vnsel vm0, $0x0, v6  }
0x58: {  	v3 =	vmul.f32 v4, v3;
	v6 =	vmin.u32 v6, $0x30  }
0x59: {  	v62 =	vsub.f32 v7, v0  }
0x5a: {  	v3 =	vadd.f32 v3, v5  }
0x5b: {  	v4 =	vmul.f32 v62, v1  }
0x5c: {  	[tilespmem:s19+$0x8200] =	vst v3  }
0x5d: {  	v3 =	vld.idx.msk [tilespmem:v6+s13+$0x0], $0xffff;
	v4 =	vtrunc.f32 v4  }
0x5e: {  	v4 =	vcvt.f32.s32 v4  }
0x5f: {  	v63 =	vld.idx.msk [tilespmem:v6+s12+$0x0], $0xffff  }
0x60: {  	vm15 =	vgt.s32 v4, $0x0  }
0x61: {  	v4 =	vnsel vm15, $0x0, v4  }
0x62: {  	v2 =	vmul.f32 v3, v2;
	v4 =	vmin.u32 v4, $0x30;
	_ =	sdelay $0x1  }
0x63: {  	v2 =	vadd.f32 v2, v63;
	_ =	sdelay $0x1  }
0x64: {  	[tilespmem:s18+$0x8200] =	vst v2  }
0x65: {  	v2 =	vld.idx.msk [tilespmem:v4+s13+$0x0], $0xffff;
	_ =	sdelay $0x1  }
0x66: {  	v3 =	vld.idx.msk [tilespmem:v4+s12+$0x0], $0xffff;
	_ =	sdelay $0x2  }
0x67: {  	v2 =	vmul.f32 v2, v7;
	_ =	sdelay $0x1  }
0x68: {  	s16 =	sadd.s32 $0x1, s16;
	v2 =	vadd.f32 v2, v3  }
0x69: {  	p0 =	sne.s32 s16, $0x8  }
.Ltmp1:
0x6a: {  	s17 =	sadd.s32 s6, s17;
	[tilespmem:s20+$0x8200] =	vst v2;
	(pc) =	sbr.rel @p0 .LBB2_2-.Ltmp1, $4  }
0x6b: {  	[hbm4b:s17+s2] =	stream.linear.scatter [tilespmem:s14], [sflag:$0x1], $0x8000, $0x38;
	[tilespmem:$0x10200] =	vst v63  }
0x6c: {  	_ =	swait.ge [sflag:s9], $0x8000  }
0x6d: {  	[sflag:s9] =	ssyncset.done $0x0  }
0x6e: {  	[sflag:s9] =	ssyncadd.s32 $0xFFFF8000  }
0x6f: {  	s15 =	sadd.s32 $0x1, s15  }
0x70: {  	p0 =	sne.s32 s15, s8  }
.Ltmp2:
0x71: {  	_ = 	snop;
	(pc) =	sbr.rel @p0 .LBB2_1-.Ltmp2, $1  }
0x72: {  	_ =	sdelay $0x3  }
0x73: {  	_ =	sfence.sel $0x180000  }
0x74: {  	[bflag:$0x0] =	sbarrier.arrive $0xFFFF  }
0x75: {  	p0 =	sne.s32 s3, $0x0;
	_ =	strace $0x9000004A  }
0x76: {  	s0 =	sadd.s32 @!p0 $0x100000, s0;
	[bflag:$0x2] =	sbarrier.arrive $0xFFFF  }
0x77: {  	[sflag:s0] =	ssyncadd.tile.s32 @!p0 $0x1;
	_ =	shalt  }
.Lfunc_end2:
_tile_overlayer_lowered:
.L_overlay_start_2:
0x78: {  	(tag) =	ssettag $0x2  }
0x79: {  	s0 =	rddreg [dreg:$0x0];
	s2 =	stileid.u32  }
0x7a: {  	s1 =	rddreg [dreg:$0x1];
	p0 =	sne.s32 s2, $0x0  }
0x7b: {  	s3 =	rddreg [dreg:$0x2];
	[bflag:$0x3] =	sbarrier.arrive $0xFFFF;
	s2 =	simm.s32 @!p0 $0x1C01  }
0x7c: {  	[timem:s3], [sflag:s2] =	dma.local @!p0 [hbm:s0], s1  }
0x7d: {  	s0 =	simm.s32 @!p0 $0x1  }
0x7e: {  	_ =	swait.ge @!p0 [sflag:s0], s1  }
0x7f: {  	s1 =	ssub.s32 @!p0 $0x0, s1;
	[sflag:s0] =	ssyncset.done @!p0 $0x0  }
0x80: {  	[sflag:s0] =	ssyncadd.s32 @!p0 s1  }
0x81: {  	[bflag:$0x3] =	sbarrier.arrive $0xFFFF  }
0x82: {  	_ =	shalt  }

// kernel: sparse-core-data-format-call.cloned.1.call-start
scs
called_computation_lowered:
.L_overlay_start_0:
0x0: {  	s2 =	sld [smem:$0x3FD9]  }
0x1: {  	s3 =	sld [smem:$0x3FFE];
	_ =	sdelay $0x1  }
0x2: {  	s1 =	srdreg.scid  }
0x3: {  	s0 =	sand.u32 $0x1, s1  }
0x4: {  	s19 =	sshll.u32 s0, $0xA;
	s2 =	sadd.s32 s3, s2  }
0x5: {  	s2 =	sadd.s32 s2, s19  }
0x6: {  	[smem:$0x3FC5] =	sst s2  }
0x7: {  	_ = 	snop  }
0x8: {  	s2 =	sld [smem:$0x3FC9]  }
0x9: {  	s20 =	sld [smem:$0x3FD0];
	(tm) =	ssettm $0x1  }
0xa: {  	s4 =	sld [smem:$0x3FFB];
	_ =	sdelay $0x3  }
0xb: {  	_ =	strace s4  }
0xc: {  	s4 =	sld [smem:$0x3FFC];
	_ =	sdelay $0x3  }
0xd: {  	_ =	strace s4  }
0xe: {  	s4 =	sld [smem:$0x3FFD];
	_ =	sdelay $0x3  }
0xf: {  	_ =	strace s4  }
0x10: {  	_ =	strace $0x8FFFFFFF  }
0x11: {  	s21 =	sld [smem:$0x3FDB];
	_ =	sdelay $0x1  }
0x12: {  	s5 =	simm.s32 $_scs_section_size  }
0x13: {  	s6 =	simm.s32 $_size__tile_overlayer_lowered;
	s7 =	simm.s32 $_tile_overlayer_lowered  }
0x14: {  	s24 =	simm.s32 $0x1BFF;
	s23 =	sshll.u32 s7, $0x1;
	s4 =	sadd.s32 s5, s21  }
0x15: {  	s8 =	simm.s32 $0x0;
	s22 =	sshll.u32 s6, $0x1;
	s6 =	sadd.s32 s23, s4  }
0x16: {  	[timem:s8], [sflag:s24] =	dma.local [hbm:s6], s22  }
0x17: {  	_ =	swait.ge [sflag:s24], s22  }
0x18: {  	s5 =	ssub.s32 $0x0, s22;
	[sflag:s24] =	ssyncset.done $0x0  }
0x19: {  	[sflag:s24] =	ssyncadd.s32 s5;
	_ =	sdelay $0x1  }
0x1a: {  	s25 =	simm.s32 $0x1B8B  }
0x1b: {  	_ =	swait.ge [sflag:s25], $0x1  }
0x1c: {  	[sflag:s25] =	ssyncset.done $0x0  }
0x1d: {  	s26 =	simm.s32 $0x1B8E;
	[sflag:s25] =	ssyncadd.s32 $0xFFFFFFFF  }
0x1e: {  	s27 =	simm.s32 $execute0_lowered;
	[smem:$0x3FD2] =	sst s26  }
0x1f: {  	s5 =	sshll.u32 s27, $0x1;
	_ =	strace $0x80000046;
	[dreg:$0x1] =	wrdreg $0xFFFFFFFF  }
0x20: {  	s28 =	simm.s32 $_size_execute0_lowered;
	s4 =	sadd.s32 s4, s5;
	[dreg:$0x0] =	wrdreg $0x0  }
0x21: {  	s5 =	sshll.u32 s28, $0x1;
	[dreg:$0x2] =	wrdreg s4  }
0x22: {  	[dreg:$0x3] =	wrdreg s5  }
0x23: {  	[dreg:$0x4] =	wrdreg $0xC0  }
0x24: {  	_ =	task [dreg:s8], $0x5FFFF  }
0x25: {  	[dreg:$0x1] =	wrdreg $0xFFFFFFFF  }
0x26: {  	[dreg:$0x0] =	wrdreg $0x60  }
0x27: {  	[dreg:$0x2] =	wrdreg s2  }
0x28: {  	[dreg:$0x3] =	wrdreg s20  }
0x29: {  	[dreg:$0x4] =	wrdreg $0x9  }
0x2a: {  	_ =	task.clear_ibuf [dreg:s8], $0x5FFFF;
	_ =	strace $0x90000046  }
0x2b: {  	s29 =	simm.s32 $0x9;
	_ =	strace $0x80000048  }
0x2c: {  	_ =	swait.ge [sflag:s29], $0x1  }
0x2d: {  	[sflag:s29] =	ssyncadd.s32 $0xFFFFFFFF  }
0x2e: {  	_ =	strace $0x90000048  }
0x2f: {  	_ =	sfence  }
0x30: {  	s30 =	sld [smem:$0x0];
	_ =	sdelay $0x2  }
0x31: {  	s31 =	sshll.u32 s1, $0xD;
	s1 =	sshrl.u32 s1, $0x2  }
0x32: {  	s3 =	sand.u32 $0x4000, s31;
	s1 =	sadd.s32 s1, s30  }
0x33: {  	s0 =	sor.u32 s3, s0;
	s1 =	sshll.u32 s1, $0x11  }
0x34: {  	s0 =	sor.u32 s1, s0  }
0x35: {  	s0 =	sadd.s32 $0x8F2B, s0  }
0x36: {  	[sflag:s0] =	ssyncadd.remote.s32 $0x1  }
0x37: {  	_ =	sfence.sel $0xFFFF  }
0x38: {  	[dreg:$0x0] =	wrdreg $0xFFFFFFFF;
	(pc) =	sbr.abs _section_cstart, $3  }
0x39: {  	[dreg:$0x1] =	wrdreg $0xFFFFFFFF  }
0x3a: {  	_ =	task.clear_ibuf [dreg:s8], $0x2FFFF;
	_ =	strace $0x9FFFFFFF  }
0x3b: {  	(tm) =	ssettm $0x7FFFFFFF  }
tec
execute0_lowered:
.L_overlay_start_1:
0x0: {  	(tag) =	ssettag $0x1  }
0x1: {  	s2 =	rddreg [dreg:$0x0]  }
0x2: {  	s3 =	rddreg [dreg:$0x1]  }
0x3: {  	s0 =	rddreg [dreg:$0x2];
	s4 =	srdreg.scid  }
.Ltmp0:
0x4: {  	_ =	strace $0x80000047;
	s1 =	stileid.u32;
	(pc) =	sbr.rel .LBB1_1-.Ltmp0, $4  }
0x5: {  	s6 =	simm.s32 $0x2;
	p0 =	por $0x0, $0x0;
	s5 =	sshll.u32 s4, $0x4  }
0x6: {  	s9 =	simm.s32 $0x0;
	s4 =	simm.s32 $0x1;
	s5 =	sand.u32 $0x10, s5  }
0x7: {  	s7 =	simm.s32 $0x0;
	[sflag:s4] =	ssyncpa.u1 $0x0;
	s5 =	sor.u32 s1, s5  }
0x8: {  	[sflag:s6] =	ssyncpa.u1 $0x0;
	s6 =	simm.s32 $0x0;
	s8 =	smov.u32 s5  }
.LBB1_7:
0x9: {  	s11 =	sadd.s32 $0x20, s8  }
0xa: {  	p1 =	slt.u32 s7, $0x2;
	s7 =	sadd.s32 $0x1, s7;
	p2 =	sgt.s32 s11, $0x1FF  }
0xb: {  	s11 =	smov.u32 @p2 s5;
	p2 =	sne.s32 s7, $0x12  }
.Ltmp1:
0xc: {  	_ = 	snop;
	(pc) =	sbr.rel @!p2 .LBB1_8-.Ltmp1, $4  }
0xd: {  	s10 =	simm.s32 @!p1 $0x2  }
0xe: {  	_ =	swait.ge @!p1 [sflag:s10], $0x4000  }
0xf: {  	s9 =	smov.u32 s8;
	[sflag:s10] =	ssyncset.done @!p1 $0x0  }
0x10: {  	p0 =	por !p0, !p0;
	s8 =	smov.u32 s11;
	[sflag:s10] =	ssyncadd.s32 @!p1 $0xFFFFC000  }
.LBB1_1:
0x11: {  	p1 =	sgt.u32 s7, $0xF  }
0x12: {  	s10 =	sxor.u32 @!p1 $0xFFFFFFFF, s7  }
0x13: {  	s11 =	sshll.u32 @!p1 s8, $0xB;
	s10 =	sshll.u32 @!p1 s10, $0xE  }
0x14: {  	s12 =	simm.s32 @!p1 $0x0;
	s11 =	sadd.s32 @!p1 s2, s11;
	s10 =	sand.u32 @!p1 $0x4000, s10  }
0x15: {  	[tilespmem:s10], [sflag:$0x1] =	stream.linear.gather @!p1 [hbm4b:s11+s12], $0x4000, $0x38;
	[tilespmem:$0x10000] =	vst v63  }
0x16: {  	p1 =	seq.s32 s7, $0x0  }
0x17: {  	p2 =	seq.s32 @!p1 s7, $0x11  }
0x18: {  	p1 =	por p1, p2  }
.Ltmp2:
0x19: {  	_ = 	snop;
	(pc) =	sbr.rel @p1 .LBB1_7-.Ltmp2, $1  }
0x1a: {  	_ =	sdelay $0x3  }
0x1b: {  	s10 =	simm.s32 $0x1;
	_ =	swait.ge [sflag:s4], $0x4000;
	s12 =	sshll.u32 s7, $0xE  }
0x1c: {  	s13 =	simm.s32 $0x0;
	s10 =	simm.s32 @!p0 $0x0;
	[sflag:s4] =	ssyncset.done $0x0  }
0x1d: {  	s12 =	sand.u32 $0x4000, s12;
	s11 =	sshll.u32 s10, $0xE;
	[sflag:s4] =	ssyncadd.s32 $0xFFFFC000  }
0x1e: {  	s12 =	sor.u32 $0x8000, s12;
	s10 =	sor.u32 $0x8040, s11;
	s11 =	sor.u32 $0x40, s11  }
.LBB1_3:
0x1f: {  	v0 =	vmov s11;
	_ =	sdelay $0x3  }
0x20: {  	s15 =	simm.s32 $0x0  }
0x21: {  	v6 =	vld.idx.msk [tilespmem:v0+s15+$0x30 ss:$0x1], $0xffff  }
0x22: {  	v7 =	vld.idx.msk [tilespmem:v0+s15+$0xFFFFFFC0 ss:$0x1], $0xffff  }
0x23: {  	v5 =	vld.idx.msk [tilespmem:v0+s15+$0xFFFFFFD0 ss:$0x1], $0xffff  }
0x24: {  	v4 =	vld.idx.msk [tilespmem:v0+s15+$0xFFFFFFE0 ss:$0x1], $0xffff  }
0x25: {  	v3 =	vld.idx.msk [tilespmem:v0+s15+$0xFFFFFFF0 ss:$0x1], $0xffff  }
0x26: {  	v1 =	vld.idx.msk [tilespmem:v0+s15+$0x0 ss:$0x1], $0xffff  }
0x27: {  	v2 =	vld.idx.msk [tilespmem:v0+s15+$0x10 ss:$0x1], $0xffff;
	[tilespmem:s10+$0x30] =	vst v6  }
0x28: {  	s14 =	simm.s32 $0x80;
	s16 =	simm.s32 $0x400;
	[tilespmem:s10+$0xFFFFFFC0] =	vst v7;
	v6 =	vld.idx.msk [tilespmem:v0+s15+$0x20 ss:$0x1], $0xffff;
	s15 =	smov.u32 s10  }
.LBB1_4:
0x29: {  	p1 =	sne.s32 s16, $0xE00;
	v7 =	vld.idx.msk [tilespmem:v0+s14+$0x30 ss:$0x1], $0xffff;
	[tilespmem:s15+$0xFFFFFFD0] =	vst v5  }
0x2a: {  	v8 =	vld.idx.msk [tilespmem:v0+s14+$0xFFFFFFC0 ss:$0x1], $0xffff;
	[tilespmem:s15+$0xFFFFFFE0] =	vst v4  }
0x2b: {  	v5 =	vld.idx.msk [tilespmem:v0+s14+$0xFFFFFFD0 ss:$0x1], $0xffff;
	[tilespmem:s15+$0xFFFFFFF0] =	vst v3  }
.Ltmp3:
0x2c: {  	v4 =	vld.idx.msk [tilespmem:v0+s14+$0xFFFFFFE0 ss:$0x1], $0xffff;
	[tilespmem:s15+$0x0] =	vst v1;
	(pc) =	sbr.rel @p1 .LBB1_4-.Ltmp3, $4  }
0x2d: {  	v3 =	vld.idx.msk [tilespmem:v0+s14+$0xFFFFFFF0 ss:$0x1], $0xffff;
	[tilespmem:s15+$0x10] =	vst v2  }
0x2e: {  	v1 =	vld.idx.msk [tilespmem:v0+s14+$0x0 ss:$0x1], $0xffff;
	[tilespmem:s15+$0x20] =	vst v6;
	s15 =	sadd.s32 $0x800, s15  }
0x2f: {  	v2 =	vld.idx.msk [tilespmem:v0+s14+$0x10 ss:$0x1], $0xffff;
	[tilespmem:s15+$0x30] =	vst v7  }
0x30: {  	[tilespmem:s15+$0xFFFFFFC0] =	vst v8;
	v6 =	vld.idx.msk [tilespmem:v0+s14+$0x20 ss:$0x1], $0xffff;
	s14 =	sshra.s32 s16, $0x2;
	s16 =	sadd.s32 $0x200, s16  }
0x31: {  	_ =	sdelay $0x2  }
0x32: {  	[tilespmem:s15+$0xFFFFFFD0] =	vst v5  }
0x33: {  	v56 =	vld.idx.msk [tilespmem:v0+s14+$0x30 ss:$0x1], $0xffff;
	[tilespmem:s15+$0xFFFFFFE0] =	vst v4  }
0x34: {  	v57 =	vld.idx.msk [tilespmem:v0+s14+$0xFFFFFFC0 ss:$0x1], $0xffff;
	[tilespmem:s15+$0xFFFFFFF0] =	vst v3  }
0x35: {  	v58 =	vld.idx.msk [tilespmem:v0+s14+$0xFFFFFFD0 ss:$0x1], $0xffff;
	[tilespmem:s15+$0x0] =	vst v1  }
0x36: {  	v59 =	vld.idx.msk [tilespmem:v0+s14+$0xFFFFFFE0 ss:$0x1], $0xffff;
	[tilespmem:s15+$0x10] =	vst v2  }
0x37: {  	v60 =	vld.idx.msk [tilespmem:v0+s14+$0xFFFFFFF0 ss:$0x1], $0xffff;
	s31 =	sadd.s32 $0x800, s15;
	[tilespmem:s15+$0x20] =	vst v6  }
0x38: {  	v61 =	vld.idx.msk [tilespmem:v0+s14+$0x0 ss:$0x1], $0xffff;
	[tilespmem:s31+$0x30] =	vst v56  }
0x39: {  	v62 =	vld.idx.msk [tilespmem:v0+s14+$0x10 ss:$0x1], $0xffff;
	s13 =	sadd.s32 $0x1, s13;
	[tilespmem:s31+$0xFFFFFFC0] =	vst v57  }
0x3a: {  	v63 =	vld.idx.msk [tilespmem:v0+s14+$0x20 ss:$0x1], $0xffff;
	p1 =	sne.s32 s13, $0x10;
	[tilespmem:s31+$0xFFFFFFD0] =	vst v58  }
.Ltmp4:
0x3b: {  	[tilespmem:s31+$0xFFFFFFE0] =	vst v59;
	(pc) =	sbr.rel @p1 .LBB1_3-.Ltmp4, $4  }
0x3c: {  	[tilespmem:s31+$0xFFFFFFF0] =	vst v60  }
0x3d: {  	[tilespmem:s31+$0x0] =	vst v61  }
0x3e: {  	[tilespmem:s31+$0x10] =	vst v62  }
0x3f: {  	s10 =	sadd.s32 $0x80, s10;
	s11 =	sadd.s32 $0x400, s11;
	[tilespmem:s31+$0x20] =	vst v63  }
.Ltmp5:
0x40: {  	(pc) =	sbr.rel .LBB1_7-.Ltmp5, $4  }
0x41: {  	_ = 	snop  }
0x42: {  	s9 =	sshll.u32 s9, $0xB  }
0x43: {  	s9 =	sadd.s32 s3, s9  }
0x44: {  	[hbm4b:s9+s6] =	stream.linear.scatter [tilespmem:s12], [sflag:$0x2], $0x4000, $0x38;
	[tilespmem:$0x10000] =	vst v63  }
.LBB1_8:
0x45: {  	_ =	sfence.sel $0x180000  }
0x46: {  	s2 =	simm.s32 $0x1;
	[bflag:$0x0] =	sbarrier.arrive $0xFFFF  }
0x47: {  	s31 =	simm.s32 $0x2;
	[sflag:s2] =	ssyncpa.u1 $0x1  }
0x48: {  	[sflag:s31] =	ssyncpa.u1 $0x1  }
0x49: {  	p0 =	sne.s32 s1, $0x0;
	_ =	strace $0x90000047  }
0x4a: {  	s0 =	sadd.s32 @!p0 $0x100000, s0;
	[bflag:$0x2] =	sbarrier.arrive $0xFFFF  }
0x4b: {  	[sflag:s0] =	ssyncadd.tile.s32 @!p0 $0x1;
	_ =	shalt  }
.Lfunc_end1:
_tile_overlayer_lowered:
.L_overlay_start_2:
0x4c: {  	(tag) =	ssettag $0x2  }
0x4d: {  	s0 =	rddreg [dreg:$0x0];
	s2 =	stileid.u32  }
0x4e: {  	s1 =	rddreg [dreg:$0x1];
	p0 =	sne.s32 s2, $0x0  }
0x4f: {  	s3 =	rddreg [dreg:$0x2];
	[bflag:$0x3] =	sbarrier.arrive $0xFFFF;
	s2 =	simm.s32 @!p0 $0x1C01  }
0x50: {  	[timem:s3], [sflag:s2] =	dma.local @!p0 [hbm:s0], s1  }
0x51: {  	s0 =	simm.s32 @!p0 $0x1  }
0x52: {  	_ =	swait.ge @!p0 [sflag:s0], s1  }
0x53: {  	s1 =	ssub.s32 @!p0 $0x0, s1;
	[sflag:s0] =	ssyncset.done @!p0 $0x0  }
0x54: {  	[sflag:s0] =	ssyncadd.s32 @!p0 s1  }
0x55: {  	[bflag:$0x3] =	sbarrier.arrive $0xFFFF  }
0x56: {  	_ =	shalt  }

</sc_bundles>
